<compile_context>
chip_gen: v7x
topology: tpu7x:2x2x1
jax: 0.10.2.dev20260603
libtpu: 0.0.44.dev20260713+nightly
codegen_flags: <defaults>
</compile_context>

<pallas_src>
import functools

import jax
import jax.numpy as jnp
from jax import lax
from jax.experimental import pallas as pl
from jax.experimental.pallas import tpu as pltpu
from jax.experimental.pallas import tpu_sc as plsc

_NC = 2
_NS = 16
_NW = _NC * _NS

_EMBED = 64
_CHUNK = 256
_NBUF = 2

def _sc_gather(idx_flat, table, *, n_rows):
    rows_per_w = n_rows // _NW
    chunks_per_w = rows_per_w // _CHUNK
    rw = table.shape[1]

    mesh = plsc.VectorSubcoreMesh(
        core_axis_name="c", subcore_axis_name="s",
        num_cores=_NC, num_subcores=_NS)

    assert chunks_per_w % _NBUF == 0
    n_steps = chunks_per_w // _NBUF

    @functools.partial(
        pl.kernel,
        out_type=jax.ShapeDtypeStruct((n_rows, _EMBED), jnp.float32),
        mesh=mesh,
        scratch_types=[
            pltpu.VMEM((rows_per_w,), jnp.int32),
            pltpu.VMEM((_NBUF, _CHUNK, rw), jnp.float32),
        ] + [pltpu.SemaphoreType.DMA] * (2 * _NBUF),
        compiler_params=pltpu.CompilerParams(use_tc_tiling_on_sc=False),
    )
    def gather_kernel(idx_hbm, table_hbm, out_hbm, idx_v, rows_v, *sems):
        gsems, wsems = sems[:_NBUF], sems[_NBUF:]
        wid = lax.axis_index("s") * _NC + lax.axis_index("c")
        row0 = wid * rows_per_w

        pltpu.sync_copy(idx_hbm.at[pl.ds(row0, rows_per_w)], idx_v)

        def fire_gather(c, buf):
            pltpu.async_copy(
                table_hbm.at[idx_v.at[pl.ds(c * _CHUNK, _CHUNK)]],
                rows_v.at[buf], gsems[buf])

        def wait_gather(buf):
            pltpu.make_async_copy(
                table_hbm.at[idx_v.at[pl.ds(0, _CHUNK)]],
                rows_v.at[buf], gsems[buf]).wait()

        def wsrc(buf):
            if rw == _EMBED:
                return rows_v.at[buf]
            return rows_v.at[buf].at[:, pl.ds(0, _EMBED)]

        def fire_write(c, buf):
            pltpu.async_copy(
                wsrc(buf),
                out_hbm.at[pl.ds(row0 + c * _CHUNK, _CHUNK)], wsems[buf])

        def wait_write(buf):
            pltpu.make_async_copy(
                wsrc(buf), out_hbm.at[pl.ds(0, _CHUNK)], wsems[buf]).wait()

        for b in range(_NBUF - 1):
            fire_gather(b, b)

        def step_body(step, carry):
            for j in range(_NBUF):
                c = step * _NBUF + j
                fb = (j - 1) % _NBUF

                @pl.when(c >= 1)
                def _():
                    wait_write(fb)

                @pl.when(c + _NBUF - 1 < chunks_per_w)
                def _():
                    fire_gather(c + _NBUF - 1, fb)

                wait_gather(j)
                fire_write(c, j)
            return carry

        lax.fori_loop(0, n_steps, step_body, 0)
        wait_write(_NBUF - 1)

    return gather_kernel(idx_flat, table)


def kernel(lex_indices, func_indices, table):
    b, l = lex_indices.shape
    n_rows = b * l * 2
    lex_t = lex_indices.T.reshape(-1)
    func_t = func_indices.T.reshape(-1)
    idx = jnp.stack([lex_t, func_t], axis=1)
    idx_flat = idx.astype(jnp.int32).reshape(n_rows)
    tab_p = jnp.pad(table, ((0, 0), (0, 2 * _EMBED - table.shape[1])))
    flat = _sc_gather(idx_flat, tab_p, n_rows=n_rows)
    out_lb = flat.reshape(l, b, 2 * table.shape[1])
    return jnp.transpose(out_lb, (1, 0, 2))

# --- scband reference (transcript-rebuilt; emitter-appended) ---
"""Pipeline reference for scband-embedding-dict-word-phr-kor-62964220559703 (READ-ONLY COPY).

The authoritative reference and input builder live on the scoring server;
editing this copy changes nothing except your own understanding.
"""

import jax, jax.numpy as jnp
import numpy as np

NUM_EMBEDDINGS = 1000000
EMBED_SIZE = 64
BATCH = 4096
SEQ_LEN = 50

def setup_inputs(seed: int = 0) -> dict:
    key = jax.random.key(seed)
    k1, k2, k3 = jax.random.split(key, 3)
    lex_indices = jax.random.randint(k1, (BATCH, SEQ_LEN), 0, NUM_EMBEDDINGS, dtype=jnp.int64 if jax.config.read('jax_enable_x64') else jnp.int32)
    func_indices = jax.random.randint(k2, (BATCH, SEQ_LEN), 0, NUM_EMBEDDINGS, dtype=jnp.int64 if jax.config.read('jax_enable_x64') else jnp.int32)
    table = jax.random.normal(k3, (NUM_EMBEDDINGS, EMBED_SIZE), dtype=jnp.float32) * 0.02
    return {"lex_indices": lex_indices, "func_indices": func_indices, "table": table}

def reference(lex_indices, func_indices, table):
    # Korean word-phrase level embedding: each word slot holds the embedding of its
    # lexical morpheme in the first half (:embed_size//2 of the doubled embed_size)
    # and the embedding of its functional morpheme in the second half.
    # Gather the lexical morpheme embeddings -> first half of doubled embedding
    lex_emb = jnp.take(table, lex_indices, axis=0)   # [B, L, d]
    # Gather the functional morpheme embeddings -> second half of doubled embedding
    func_emb = jnp.take(table, func_indices, axis=0)  # [B, L, d]
    # word_embedding[word_i, :d] = lex, word_embedding[word_i, d:] = func
    embedded = jnp.concatenate([lex_emb, func_emb], axis=-1)  # [B, L, 2d]
    return embedded

if __name__ == "__main__":
    import jax
    _d = setup_inputs()
    print(jax.jit(kernel)(*tuple(_d.values())))

</pallas_src>

<mosaic_0001>
#map = affine_map<(d0, d1) -> (0)>
#map1 = affine_map<(d0, d1) -> (0, 0)>
module attributes {stable_mosaic.version = 14 : i64} {
  func.func @gather_kernel(%arg0: i32, %arg1: i32, %arg2: memref<409600xi32, #tpu.memory_space<hbm>>, %arg3: memref<1000000x128xf32, #tpu.memory_space<hbm>>, %arg4: memref<409600x64xf32, #tpu.memory_space<hbm>>, %arg5: memref<12800xi32, #tpu.memory_space<vmem>>, %arg6: memref<2x256x128xf32, #tpu.memory_space<vmem>>, %arg7: memref<!tpu.dma_semaphore, #tpu.memory_space<semaphore_mem>>, %arg8: memref<!tpu.dma_semaphore, #tpu.memory_space<semaphore_mem>>, %arg9: memref<!tpu.dma_semaphore, #tpu.memory_space<semaphore_mem>>, %arg10: memref<!tpu.dma_semaphore, #tpu.memory_space<semaphore_mem>>) attributes {dimension_semantics = [#tpu.dimension_semantics<core_parallel>, #tpu.dimension_semantics<subcore_parallel>], iteration_bounds = array<i64: 2, 16>, scalar_prefetch = 0 : i64, scratch_operands = 6 : i64, tpu.core_type = #tpu.core_type<sc_vector_subcore>, window_params = [{transform_indices = #map}, {transform_indices = #map1}, {transform_indices = #map1}]} {
    %mul3A = arith.constant 2 : i32
    %mul3A_0 = arith.muli %arg1, %mul3A : i32
    %add3A = arith.addi %mul3A_0, %arg0 : i32
    %mul3A_1 = arith.constant 12800 : i32
    %mul3A_2 = arith.muli %add3A, %mul3A_1 : i32
    "tpu.region"() ({
      %run_scoped3A = tpu.sem_alloc : memref<!tpu.dma_semaphore, #tpu.memory_space<semaphore_mem>>
      %dma_start3A_37 = tpu.memref_slice %arg2[%mul3A_2] : memref<409600xi32, #tpu.memory_space<hbm>> -> memref<12800xi32, #tpu.memory_space<hbm>>
      %dma_start3A_38 = tpu.memref_slice %arg2[%mul3A_2] : memref<409600xi32, #tpu.memory_space<hbm>> -> memref<12800xi32, #tpu.memory_space<hbm>>
      tpu.enqueue_dma source(%dma_start3A_38 : memref<12800xi32, #tpu.memory_space<hbm>>) target(%arg5 : memref<12800xi32, #tpu.memory_space<vmem>>) target_semaphore(%run_scoped3A : memref<!tpu.dma_semaphore, #tpu.memory_space<semaphore_mem>>)
      %dma_wait3A_39 = tpu.memref_slice %arg2[%mul3A_2] : memref<409600xi32, #tpu.memory_space<hbm>> -> memref<12800xi32, #tpu.memory_space<hbm>>
      %dma_wait3A_40 = tpu.memref_slice %arg2[%mul3A_2] : memref<409600xi32, #tpu.memory_space<hbm>> -> memref<12800xi32, #tpu.memory_space<hbm>>
      tpu.wait_dma2 semaphore(%run_scoped3A : memref<!tpu.dma_semaphore, #tpu.memory_space<semaphore_mem>>) src(%dma_wait3A_40 : memref<12800xi32, #tpu.memory_space<hbm>>) dst(%arg5 : memref<12800xi32, #tpu.memory_space<vmem>>)
      tpu.yield
    }) : () -> ()
    %dma_start3A = arith.constant 0 : i32
    %dma_start3A_3 = arith.constant 0 : i32
    %dma_start3A_4 = arith.constant 0 : i32
    %dma_start3A_5 = tpu.memref_slice %arg6[%dma_start3A, %dma_start3A_3, %dma_start3A_4] : memref<2x256x128xf32, #tpu.memory_space<vmem>> -> memref<1x256x128xf32, #tpu.memory_space<vmem>>
    %dma_start3A_6 = tpu.memref_squeeze %dma_start3A_5 : memref<1x256x128xf32, #tpu.memory_space<vmem>> -> memref<256x128xf32, #tpu.memory_space<vmem>>
    %dma_start3A_7 = arith.constant 0 : i32
    %dma_start3A_8 = tpu.memref_slice %arg5[%dma_start3A_7] : memref<12800xi32, #tpu.memory_space<vmem>> -> memref<256xi32, #tpu.memory_space<vmem>>
    %dma_start3A_9 = arith.constant 0 : i32
    %dma_start3A_10 = arith.constant 0 : i32
    %dma_start3A_11 = tpu.memref_slice %arg3[%dma_start3A_9, %dma_start3A_10] : memref<1000000x128xf32, #tpu.memory_space<hbm>> -> memref<1000000x128xf32, #tpu.memory_space<hbm>>
    tpu.enqueue_indirect_dma source(%dma_start3A_11 : memref<1000000x128xf32, #tpu.memory_space<hbm>>) target(%dma_start3A_6 : memref<256x128xf32, #tpu.memory_space<vmem>>) offsets(%dma_start3A_8 : memref<256xi32, #tpu.memory_space<vmem>>) semaphore(%arg7 : memref<!tpu.dma_semaphore, #tpu.memory_space<semaphore_mem>>)
    %scan3A = arith.constant 0 : i32
    %scan3A_12 = arith.constant 0 : i32
    %scan3A_13 = arith.constant 25 : i32
    %scan3A_14 = arith.addi %scan3A_12, %scan3A_13 : i32
    %scan3A_15 = arith.constant 1 : i32
    scf.for %scan3A_37 = %scan3A_12 to %scan3A_14 step %scan3A_15  : i32 {
      %mul3A_38 = arith.constant 2 : i32
      %mul3A_39 = arith.muli %scan3A_37, %mul3A_38 : i32
      %add3A_40 = arith.constant 0 : i32
      %add3A_41 = arith.addi %mul3A_39, %add3A_40 : i32
      %ge3A = arith.constant 1 : i32
      %ge3A_42 = arith.cmpi sge, %add3A_41, %ge3A : i32
      %convert_element_type3A = arith.extui %ge3A_42 : i1 to i32
      %cond3A = arith.constant 0 : i32
      %cond3A_43 = arith.cmpi ne, %convert_element_type3A, %cond3A : i32
      scf.if %cond3A_43 {
        %dma_wait3A_133 = arith.constant 1 : i32
        %dma_wait3A_134 = arith.constant 0 : i32
        %dma_wait3A_135 = arith.constant 0 : i32
        %dma_wait3A_136 = tpu.memref_slice %arg6[%dma_wait3A_133, %dma_wait3A_134, %dma_wait3A_135] : memref<2x256x128xf32, #tpu.memory_space<vmem>> -> memref<1x256x128xf32, #tpu.memory_space<vmem>>
        %dma_wait3A_137 = tpu.memref_squeeze %dma_wait3A_136 : memref<1x256x128xf32, #tpu.memory_space<vmem>> -> memref<256x128xf32, #tpu.memory_space<vmem>>
        %dma_wait3A_138 = arith.constant 0 : i32
        %dma_wait3A_139 = arith.constant 0 : i32
        %dma_wait3A_140 = tpu.memref_slice %dma_wait3A_137[%dma_wait3A_138, %dma_wait3A_139] : memref<256x128xf32, #tpu.memory_space<vmem>> -> memref<256x64xf32, #tpu.memory_space<vmem>>
        %dma_wait3A_141 = arith.constant 0 : i32
        %dma_wait3A_142 = arith.constant 0 : i32
        %dma_wait3A_143 = tpu.memref_slice %arg4[%dma_wait3A_141, %dma_wait3A_142] : memref<409600x64xf32, #tpu.memory_space<hbm>> -> memref<256x64xf32, #tpu.memory_space<hbm>>
        %dma_wait3A_144 = arith.constant 0 : i32
        %dma_wait3A_145 = arith.constant 0 : i32
        %dma_wait3A_146 = tpu.memref_slice %arg4[%dma_wait3A_144, %dma_wait3A_145] : memref<409600x64xf32, #tpu.memory_space<hbm>> -> memref<256x64xf32, #tpu.memory_space<hbm>>
        %dma_wait3A_147 = arith.constant 0 : i32
        %dma_wait3A_148 = arith.constant 0 : i32
        %dma_wait3A_149 = tpu.memref_slice %arg6[%dma_wait3A_133, %dma_wait3A_147, %dma_wait3A_148] : memref<2x256x128xf32, #tpu.memory_space<vmem>> -> memref<1x256x128xf32, #tpu.memory_space<vmem>>
        %dma_wait3A_150 = tpu.memref_squeeze %dma_wait3A_149 : memref<1x256x128xf32, #tpu.memory_space<vmem>> -> memref<256x128xf32, #tpu.memory_space<vmem>>
        %dma_wait3A_151 = arith.constant 0 : i32
        %dma_wait3A_152 = arith.constant 0 : i32
        %dma_wait3A_153 = tpu.memref_slice %dma_wait3A_150[%dma_wait3A_151, %dma_wait3A_152] : memref<256x128xf32, #tpu.memory_space<vmem>> -> memref<256x64xf32, #tpu.memory_space<vmem>>
        tpu.wait_dma2 semaphore(%arg10 : memref<!tpu.dma_semaphore, #tpu.memory_space<semaphore_mem>>) src(%dma_wait3A_153 : memref<256x64xf32, #tpu.memory_space<vmem>>) dst(%dma_wait3A_146 : memref<256x64xf32, #tpu.memory_space<hbm>>)
      } else {
      }
      %add3A_44 = arith.constant 2 : i32
      %add3A_45 = arith.addi %add3A_41, %add3A_44 : i32
      %sub3A = arith.constant 1 : i32
      %sub3A_46 = arith.subi %add3A_45, %sub3A : i32
      %lt3A = arith.constant 50 : i32
      %lt3A_47 = arith.cmpi slt, %sub3A_46, %lt3A : i32
      %convert_element_type3A_48 = arith.extui %lt3A_47 : i1 to i32
      %cond3A_49 = arith.constant 0 : i32
      %cond3A_50 = arith.cmpi ne, %convert_element_type3A_48, %cond3A_49 : i32
      scf.if %cond3A_50 {
        %add3A_133 = arith.constant 2 : i32
        %add3A_134 = arith.addi %add3A_41, %add3A_133 : i32
        %sub3A_135 = arith.constant 1 : i32
        %sub3A_136 = arith.subi %add3A_134, %sub3A_135 : i32
        %mul3A_137 = arith.constant 256 : i32
        %mul3A_138 = arith.muli %sub3A_136, %mul3A_137 : i32
        %dma_start3A_139 = arith.constant 1 : i32
        %dma_start3A_140 = arith.constant 0 : i32
        %dma_start3A_141 = arith.constant 0 : i32
        %dma_start3A_142 = tpu.memref_slice %arg6[%dma_start3A_139, %dma_start3A_140, %dma_start3A_141] : memref<2x256x128xf32, #tpu.memory_space<vmem>> -> memref<1x256x128xf32, #tpu.memory_space<vmem>>
        %dma_start3A_143 = tpu.memref_squeeze %dma_start3A_142 : memref<1x256x128xf32, #tpu.memory_space<vmem>> -> memref<256x128xf32, #tpu.memory_space<vmem>>
        %dma_start3A_144 = tpu.memref_slice %arg5[%mul3A_138] : memref<12800xi32, #tpu.memory_space<vmem>> -> memref<256xi32, #tpu.memory_space<vmem>>
        %dma_start3A_145 = arith.constant 0 : i32
        %dma_start3A_146 = arith.constant 0 : i32
        %dma_start3A_147 = tpu.memref_slice %arg3[%dma_start3A_145, %dma_start3A_146] : memref<1000000x128xf32, #tpu.memory_space<hbm>> -> memref<1000000x128xf32, #tpu.memory_space<hbm>>
        tpu.enqueue_indirect_dma source(%dma_start3A_147 : memref<1000000x128xf32, #tpu.memory_space<hbm>>) target(%dma_start3A_143 : memref<256x128xf32, #tpu.memory_space<vmem>>) offsets(%dma_start3A_144 : memref<256xi32, #tpu.memory_space<vmem>>) semaphore(%arg8 : memref<!tpu.dma_semaphore, #tpu.memory_space<semaphore_mem>>)
      } else {
      }
      %dma_wait3A_51 = arith.constant 0 : i32
      %dma_wait3A_52 = arith.constant 0 : i32
      %dma_wait3A_53 = arith.constant 0 : i32
      %dma_wait3A_54 = tpu.memref_slice %arg6[%dma_wait3A_51, %dma_wait3A_52, %dma_wait3A_53] : memref<2x256x128xf32, #tpu.memory_space<vmem>> -> memref<1x256x128xf32, #tpu.memory_space<vmem>>
      %dma_wait3A_55 = tpu.memref_squeeze %dma_wait3A_54 : memref<1x256x128xf32, #tpu.memory_space<vmem>> -> memref<256x128xf32, #tpu.memory_space<vmem>>
      %dma_wait3A_56 = arith.constant 0 : i32
      %dma_wait3A_57 = tpu.memref_slice %arg5[%dma_wait3A_56] : memref<12800xi32, #tpu.memory_space<vmem>> -> memref<256xi32, #tpu.memory_space<vmem>>
      %dma_wait3A_58 = arith.constant 0 : i32
      %dma_wait3A_59 = arith.constant 0 : i32
      %dma_wait3A_60 = tpu.memref_slice %arg3[%dma_wait3A_58, %dma_wait3A_59] : memref<1000000x128xf32, #tpu.memory_space<hbm>> -> memref<1000000x128xf32, #tpu.memory_space<hbm>>
      tpu.wait_indirect_dma semaphore(%arg7 : memref<!tpu.dma_semaphore, #tpu.memory_space<semaphore_mem>>) src(%dma_wait3A_60 : memref<1000000x128xf32, #tpu.memory_space<hbm>>) dst(%dma_wait3A_55 : memref<256x128xf32, #tpu.memory_space<vmem>>)
      %mul3A_61 = arith.constant 256 : i32
      %mul3A_62 = arith.muli %add3A_41, %mul3A_61 : i32
      %add3A_63 = arith.addi %mul3A_2, %mul3A_62 : i32
      %dma_start3A_64 = arith.constant 0 : i32
      %dma_start3A_65 = arith.constant 0 : i32
      %dma_start3A_66 = arith.constant 0 : i32
      %dma_start3A_67 = tpu.memref_slice %arg6[%dma_start3A_64, %dma_start3A_65, %dma_start3A_66] : memref<2x256x128xf32, #tpu.memory_space<vmem>> -> memref<1x256x128xf32, #tpu.memory_space<vmem>>
      %dma_start3A_68 = tpu.memref_squeeze %dma_start3A_67 : memref<1x256x128xf32, #tpu.memory_space<vmem>> -> memref<256x128xf32, #tpu.memory_space<vmem>>
      %dma_start3A_69 = arith.constant 0 : i32
      %dma_start3A_70 = arith.constant 0 : i32
      %dma_start3A_71 = tpu.memref_slice %dma_start3A_68[%dma_start3A_69, %dma_start3A_70] : memref<256x128xf32, #tpu.memory_space<vmem>> -> memref<256x64xf32, #tpu.memory_space<vmem>>
      %dma_start3A_72 = arith.constant 0 : i32
      %dma_start3A_73 = tpu.memref_slice %arg4[%add3A_63, %dma_start3A_72] : memref<409600x64xf32, #tpu.memory_space<hbm>> -> memref<256x64xf32, #tpu.memory_space<hbm>>
      %dma_start3A_74 = arith.constant 0 : i32
      %dma_start3A_75 = tpu.memref_slice %arg4[%add3A_63, %dma_start3A_74] : memref<409600x64xf32, #tpu.memory_space<hbm>> -> memref<256x64xf32, #tpu.memory_space<hbm>>
      %dma_start3A_76 = arith.constant 0 : i32
      %dma_start3A_77 = arith.constant 0 : i32
      %dma_start3A_78 = tpu.memref_slice %arg6[%dma_start3A_64, %dma_start3A_76, %dma_start3A_77] : memref<2x256x128xf32, #tpu.memory_space<vmem>> -> memref<1x256x128xf32, #tpu.memory_space<vmem>>
      %dma_start3A_79 = tpu.memref_squeeze %dma_start3A_78 : memref<1x256x128xf32, #tpu.memory_space<vmem>> -> memref<256x128xf32, #tpu.memory_space<vmem>>
      %dma_start3A_80 = arith.constant 0 : i32
      %dma_start3A_81 = arith.constant 0 : i32
      %dma_start3A_82 = tpu.memref_slice %dma_start3A_79[%dma_start3A_80, %dma_start3A_81] : memref<256x128xf32, #tpu.memory_space<vmem>> -> memref<256x64xf32, #tpu.memory_space<vmem>>
      tpu.enqueue_dma source(%dma_start3A_82 : memref<256x64xf32, #tpu.memory_space<vmem>>) target(%dma_start3A_75 : memref<256x64xf32, #tpu.memory_space<hbm>>) target_semaphore(%arg9 : memref<!tpu.dma_semaphore, #tpu.memory_space<semaphore_mem>>)
      %mul3A_83 = arith.constant 2 : i32
      %mul3A_84 = arith.muli %scan3A_37, %mul3A_83 : i32
      %add3A_85 = arith.constant 1 : i32
      %add3A_86 = arith.addi %mul3A_84, %add3A_85 : i32
      %ge3A_87 = arith.constant 1 : i32
      %ge3A_88 = arith.cmpi sge, %add3A_86, %ge3A_87 : i32
      %convert_element_type3A_89 = arith.extui %ge3A_88 : i1 to i32
      %cond3A_90 = arith.constant 0 : i32
      %cond3A_91 = arith.cmpi ne, %convert_element_type3A_89, %cond3A_90 : i32
      scf.if %cond3A_91 {
        %dma_wait3A_133 = arith.constant 0 : i32
        %dma_wait3A_134 = arith.constant 0 : i32
        %dma_wait3A_135 = arith.constant 0 : i32
        %dma_wait3A_136 = tpu.memref_slice %arg6[%dma_wait3A_133, %dma_wait3A_134, %dma_wait3A_135] : memref<2x256x128xf32, #tpu.memory_space<vmem>> -> memref<1x256x128xf32, #tpu.memory_space<vmem>>
        %dma_wait3A_137 = tpu.memref_squeeze %dma_wait3A_136 : memref<1x256x128xf32, #tpu.memory_space<vmem>> -> memref<256x128xf32, #tpu.memory_space<vmem>>
        %dma_wait3A_138 = arith.constant 0 : i32
        %dma_wait3A_139 = arith.constant 0 : i32
        %dma_wait3A_140 = tpu.memref_slice %dma_wait3A_137[%dma_wait3A_138, %dma_wait3A_139] : memref<256x128xf32, #tpu.memory_space<vmem>> -> memref<256x64xf32, #tpu.memory_space<vmem>>
        %dma_wait3A_141 = arith.constant 0 : i32
        %dma_wait3A_142 = arith.constant 0 : i32
        %dma_wait3A_143 = tpu.memref_slice %arg4[%dma_wait3A_141, %dma_wait3A_142] : memref<409600x64xf32, #tpu.memory_space<hbm>> -> memref<256x64xf32, #tpu.memory_space<hbm>>
        %dma_wait3A_144 = arith.constant 0 : i32
        %dma_wait3A_145 = arith.constant 0 : i32
        %dma_wait3A_146 = tpu.memref_slice %arg4[%dma_wait3A_144, %dma_wait3A_145] : memref<409600x64xf32, #tpu.memory_space<hbm>> -> memref<256x64xf32, #tpu.memory_space<hbm>>
        %dma_wait3A_147 = arith.constant 0 : i32
        %dma_wait3A_148 = arith.constant 0 : i32
        %dma_wait3A_149 = tpu.memref_slice %arg6[%dma_wait3A_133, %dma_wait3A_147, %dma_wait3A_148] : memref<2x256x128xf32, #tpu.memory_space<vmem>> -> memref<1x256x128xf32, #tpu.memory_space<vmem>>
        %dma_wait3A_150 = tpu.memref_squeeze %dma_wait3A_149 : memref<1x256x128xf32, #tpu.memory_space<vmem>> -> memref<256x128xf32, #tpu.memory_space<vmem>>
        %dma_wait3A_151 = arith.constant 0 : i32
        %dma_wait3A_152 = arith.constant 0 : i32
        %dma_wait3A_153 = tpu.memref_slice %dma_wait3A_150[%dma_wait3A_151, %dma_wait3A_152] : memref<256x128xf32, #tpu.memory_space<vmem>> -> memref<256x64xf32, #tpu.memory_space<vmem>>
        tpu.wait_dma2 semaphore(%arg9 : memref<!tpu.dma_semaphore, #tpu.memory_space<semaphore_mem>>) src(%dma_wait3A_153 : memref<256x64xf32, #tpu.memory_space<vmem>>) dst(%dma_wait3A_146 : memref<256x64xf32, #tpu.memory_space<hbm>>)
      } else {
      }
      %add3A_92 = arith.constant 2 : i32
      %add3A_93 = arith.addi %add3A_86, %add3A_92 : i32
      %sub3A_94 = arith.constant 1 : i32
      %sub3A_95 = arith.subi %add3A_93, %sub3A_94 : i32
      %lt3A_96 = arith.constant 50 : i32
      %lt3A_97 = arith.cmpi slt, %sub3A_95, %lt3A_96 : i32
      %convert_element_type3A_98 = arith.extui %lt3A_97 : i1 to i32
      %cond3A_99 = arith.constant 0 : i32
      %cond3A_100 = arith.cmpi ne, %convert_element_type3A_98, %cond3A_99 : i32
      scf.if %cond3A_100 {
        %add3A_133 = arith.constant 2 : i32
        %add3A_134 = arith.addi %add3A_86, %add3A_133 : i32
        %sub3A_135 = arith.constant 1 : i32
        %sub3A_136 = arith.subi %add3A_134, %sub3A_135 : i32
        %mul3A_137 = arith.constant 256 : i32
        %mul3A_138 = arith.muli %sub3A_136, %mul3A_137 : i32
        %dma_start3A_139 = arith.constant 0 : i32
        %dma_start3A_140 = arith.constant 0 : i32
        %dma_start3A_141 = arith.constant 0 : i32
        %dma_start3A_142 = tpu.memref_slice %arg6[%dma_start3A_139, %dma_start3A_140, %dma_start3A_141] : memref<2x256x128xf32, #tpu.memory_space<vmem>> -> memref<1x256x128xf32, #tpu.memory_space<vmem>>
        %dma_start3A_143 = tpu.memref_squeeze %dma_start3A_142 : memref<1x256x128xf32, #tpu.memory_space<vmem>> -> memref<256x128xf32, #tpu.memory_space<vmem>>
        %dma_start3A_144 = tpu.memref_slice %arg5[%mul3A_138] : memref<12800xi32, #tpu.memory_space<vmem>> -> memref<256xi32, #tpu.memory_space<vmem>>
        %dma_start3A_145 = arith.constant 0 : i32
        %dma_start3A_146 = arith.constant 0 : i32
        %dma_start3A_147 = tpu.memref_slice %arg3[%dma_start3A_145, %dma_start3A_146] : memref<1000000x128xf32, #tpu.memory_space<hbm>> -> memref<1000000x128xf32, #tpu.memory_space<hbm>>
        tpu.enqueue_indirect_dma source(%dma_start3A_147 : memref<1000000x128xf32, #tpu.memory_space<hbm>>) target(%dma_start3A_143 : memref<256x128xf32, #tpu.memory_space<vmem>>) offsets(%dma_start3A_144 : memref<256xi32, #tpu.memory_space<vmem>>) semaphore(%arg7 : memref<!tpu.dma_semaphore, #tpu.memory_space<semaphore_mem>>)
      } else {
      }
      %dma_wait3A_101 = arith.constant 1 : i32
      %dma_wait3A_102 = arith.constant 0 : i32
      %dma_wait3A_103 = arith.constant 0 : i32
      %dma_wait3A_104 = tpu.memref_slice %arg6[%dma_wait3A_101, %dma_wait3A_102, %dma_wait3A_103] : memref<2x256x128xf32, #tpu.memory_space<vmem>> -> memref<1x256x128xf32, #tpu.memory_space<vmem>>
      %dma_wait3A_105 = tpu.memref_squeeze %dma_wait3A_104 : memref<1x256x128xf32, #tpu.memory_space<vmem>> -> memref<256x128xf32, #tpu.memory_space<vmem>>
      %dma_wait3A_106 = arith.constant 0 : i32
      %dma_wait3A_107 = tpu.memref_slice %arg5[%dma_wait3A_106] : memref<12800xi32, #tpu.memory_space<vmem>> -> memref<256xi32, #tpu.memory_space<vmem>>
      %dma_wait3A_108 = arith.constant 0 : i32
      %dma_wait3A_109 = arith.constant 0 : i32
      %dma_wait3A_110 = tpu.memref_slice %arg3[%dma_wait3A_108, %dma_wait3A_109] : memref<1000000x128xf32, #tpu.memory_space<hbm>> -> memref<1000000x128xf32, #tpu.memory_space<hbm>>
      tpu.wait_indirect_dma semaphore(%arg8 : memref<!tpu.dma_semaphore, #tpu.memory_space<semaphore_mem>>) src(%dma_wait3A_110 : memref<1000000x128xf32, #tpu.memory_space<hbm>>) dst(%dma_wait3A_105 : memref<256x128xf32, #tpu.memory_space<vmem>>)
      %mul3A_111 = arith.constant 256 : i32
      %mul3A_112 = arith.muli %add3A_86, %mul3A_111 : i32
      %add3A_113 = arith.addi %mul3A_2, %mul3A_112 : i32
      %dma_start3A_114 = arith.constant 1 : i32
      %dma_start3A_115 = arith.constant 0 : i32
      %dma_start3A_116 = arith.constant 0 : i32
      %dma_start3A_117 = tpu.memref_slice %arg6[%dma_start3A_114, %dma_start3A_115, %dma_start3A_116] : memref<2x256x128xf32, #tpu.memory_space<vmem>> -> memref<1x256x128xf32, #tpu.memory_space<vmem>>
      %dma_start3A_118 = tpu.memref_squeeze %dma_start3A_117 : memref<1x256x128xf32, #tpu.memory_space<vmem>> -> memref<256x128xf32, #tpu.memory_space<vmem>>
      %dma_start3A_119 = arith.constant 0 : i32
      %dma_start3A_120 = arith.constant 0 : i32
      %dma_start3A_121 = tpu.memref_slice %dma_start3A_118[%dma_start3A_119, %dma_start3A_120] : memref<256x128xf32, #tpu.memory_space<vmem>> -> memref<256x64xf32, #tpu.memory_space<vmem>>
      %dma_start3A_122 = arith.constant 0 : i32
      %dma_start3A_123 = tpu.memref_slice %arg4[%add3A_113, %dma_start3A_122] : memref<409600x64xf32, #tpu.memory_space<hbm>> -> memref<256x64xf32, #tpu.memory_space<hbm>>
      %dma_start3A_124 = arith.constant 0 : i32
      %dma_start3A_125 = tpu.memref_slice %arg4[%add3A_113, %dma_start3A_124] : memref<409600x64xf32, #tpu.memory_space<hbm>> -> memref<256x64xf32, #tpu.memory_space<hbm>>
      %dma_start3A_126 = arith.constant 0 : i32
      %dma_start3A_127 = arith.constant 0 : i32
      %dma_start3A_128 = tpu.memref_slice %arg6[%dma_start3A_114, %dma_start3A_126, %dma_start3A_127] : memref<2x256x128xf32, #tpu.memory_space<vmem>> -> memref<1x256x128xf32, #tpu.memory_space<vmem>>
      %dma_start3A_129 = tpu.memref_squeeze %dma_start3A_128 : memref<1x256x128xf32, #tpu.memory_space<vmem>> -> memref<256x128xf32, #tpu.memory_space<vmem>>
      %dma_start3A_130 = arith.constant 0 : i32
      %dma_start3A_131 = arith.constant 0 : i32
      %dma_start3A_132 = tpu.memref_slice %dma_start3A_129[%dma_start3A_130, %dma_start3A_131] : memref<256x128xf32, #tpu.memory_space<vmem>> -> memref<256x64xf32, #tpu.memory_space<vmem>>
      tpu.enqueue_dma source(%dma_start3A_132 : memref<256x64xf32, #tpu.memory_space<vmem>>) target(%dma_start3A_125 : memref<256x64xf32, #tpu.memory_space<hbm>>) target_semaphore(%arg10 : memref<!tpu.dma_semaphore, #tpu.memory_space<semaphore_mem>>)
    }
    %scan3A_16 = arith.constant 25 : i32
    %dma_wait3A = arith.constant 1 : i32
    %dma_wait3A_17 = arith.constant 0 : i32
    %dma_wait3A_18 = arith.constant 0 : i32
    %dma_wait3A_19 = tpu.memref_slice %arg6[%dma_wait3A, %dma_wait3A_17, %dma_wait3A_18] : memref<2x256x128xf32, #tpu.memory_space<vmem>> -> memref<1x256x128xf32, #tpu.memory_space<vmem>>
    %dma_wait3A_20 = tpu.memref_squeeze %dma_wait3A_19 : memref<1x256x128xf32, #tpu.memory_space<vmem>> -> memref<256x128xf32, #tpu.memory_space<vmem>>
    %dma_wait3A_21 = arith.constant 0 : i32
    %dma_wait3A_22 = arith.constant 0 : i32
    %dma_wait3A_23 = tpu.memref_slice %dma_wait3A_20[%dma_wait3A_21, %dma_wait3A_22] : memref<256x128xf32, #tpu.memory_space<vmem>> -> memref<256x64xf32, #tpu.memory_space<vmem>>
    %dma_wait3A_24 = arith.constant 0 : i32
    %dma_wait3A_25 = arith.constant 0 : i32
    %dma_wait3A_26 = tpu.memref_slice %arg4[%dma_wait3A_24, %dma_wait3A_25] : memref<409600x64xf32, #tpu.memory_space<hbm>> -> memref<256x64xf32, #tpu.memory_space<hbm>>
    %dma_wait3A_27 = arith.constant 0 : i32
    %dma_wait3A_28 = arith.constant 0 : i32
    %dma_wait3A_29 = tpu.memref_slice %arg4[%dma_wait3A_27, %dma_wait3A_28] : memref<409600x64xf32, #tpu.memory_space<hbm>> -> memref<256x64xf32, #tpu.memory_space<hbm>>
    %dma_wait3A_30 = arith.constant 0 : i32
    %dma_wait3A_31 = arith.constant 0 : i32
    %dma_wait3A_32 = tpu.memref_slice %arg6[%dma_wait3A, %dma_wait3A_30, %dma_wait3A_31] : memref<2x256x128xf32, #tpu.memory_space<vmem>> -> memref<1x256x128xf32, #tpu.memory_space<vmem>>
    %dma_wait3A_33 = tpu.memref_squeeze %dma_wait3A_32 : memref<1x256x128xf32, #tpu.memory_space<vmem>> -> memref<256x128xf32, #tpu.memory_space<vmem>>
    %dma_wait3A_34 = arith.constant 0 : i32
    %dma_wait3A_35 = arith.constant 0 : i32
    %dma_wait3A_36 = tpu.memref_slice %dma_wait3A_33[%dma_wait3A_34, %dma_wait3A_35] : memref<256x128xf32, #tpu.memory_space<vmem>> -> memref<256x64xf32, #tpu.memory_space<vmem>>
    tpu.wait_dma2 semaphore(%arg10 : memref<!tpu.dma_semaphore, #tpu.memory_space<semaphore_mem>>) src(%dma_wait3A_36 : memref<256x64xf32, #tpu.memory_space<vmem>>) dst(%dma_wait3A_29 : memref<256x64xf32, #tpu.memory_space<hbm>>)
    return
  }
}

</mosaic_0001>

<sc_bundles>
// kernel: kernel.3.cloned.1.call-start
scs
__scs_entry_jumppad:
0x0: {  	(pc) =	sbr.rel $0x88, $3  }
0x1: {  	(tag) =	ssettag $0x0;
	lr =	simm.s32 $0x1  }
0x2: {  	[smem:$0x3F9E] =	sst lr;
	_ =	strace $0xD0000000  }
0x3: {  	_ = 	snop  }
0x4: {  	_ = 	snop  }
0x5: {  	_ = 	snop  }
0x6: {  	_ = 	snop  }
0x7: {  	_ = 	snop  }
__scs_overlays_trampoline_lowered:
0x8: {  	[smem:$0x3FAD] =	sst s0  }
0x9: {  	[smem:$0x3FAE] =	sst s1  }
0xa: {  	[smem:$0x3FAF] =	sst s2  }
0xb: {  	[smem:$0x3FB0] =	sst s3  }
0xc: {  	[smem:$0x3FB1] =	sst s4  }
0xd: {  	[smem:$0x3FB2] =	sst s5  }
0xe: {  	[smem:$0x3FB3] =	sst s6  }
0xf: {  	[smem:$0x3FB4] =	sst s7  }
0x10: {  	[smem:$0x3FB5] =	sst s8  }
0x11: {  	[smem:$0x3FB6] =	sst s9;
	s0 =	simm.s32 @!p0 $0x0  }
0x12: {  	s1 =	sld [smem:$0x3F9C];
	s0 =	simm.s32 @p0 $0x1  }
0x13: {  	[smem:$0x3FB7] =	sst s0;
	s0 =	simm.s32 @!p1 $0x0  }
0x14: {  	s2 =	sld [smem:$0x3F9B];
	s0 =	simm.s32 @p1 $0x1  }
0x15: {  	[smem:$0x3FB8] =	sst s0;
	s0 =	simm.s32 @!p2 $0x0  }
0x16: {  	s3 =	sld [smem:$0x3FDB];
	s0 =	simm.s32 @p2 $0x1  }
0x17: {  	s4 =	simm.s32 $0x1BF5;
	[smem:$0x3FBA] =	sst s0  }
0x18: {  	s0 =	sld [smem:$0x3F9D];
	_ =	swait.ge [sflag:s4], $0x0  }
0x19: {  	s7 =	sld [smem:$0x3F9E]  }
0x1a: {  	s8 =	sadd.s32 $0xFFFFE003, lr  }
0x1b: {  	s9 =	sadd.s32 $0xFFFFFEF7, lr;
	s5 =	simm.s32 $0xFFFFFFFF;
	p2 =	slt.u32 s8, $0xFFFFF086  }
0x1c: {  	p1 =	slt.u32 s9, $0xF7A;
	s5 =	simm.s32 @!p2 $0x0  }
0x1d: {  	s5 =	simm.s32 @p1 $0x1;
	p0 =	seq.s32 s7, s2  }
0x1e: {  	s7 =	smul.u32 @!p0 $0xF7A, s2;
	p2 =	seq.s32 @!p0 s5, $0x0  }
0x1f: {  	s9 =	smul.u32 $0xF7A, s1;
	s8 =	simm.s32 @!p0 $0x1BF5;
	p2 =	por !p2, p0  }
0x20: {  	[sflag:s8] =	ssyncset.s32 @!p0 $0xFFFFF086;
	s6 =	sadd.s32 @!p0 s3, s7;
	s7 =	simm.s32 @!p0 $0x108  }
0x21: {  	s3 =	sadd.s32 s3, s9;
	s6 =	sadd.s32 @!p0 $0x88, s6;
	s7 =	simm.s32 @p2 $0x1082  }
0x22: {  	[simem:s7], [sflag:s8] =	dma.local @!p0 [hbm:s6], $0xF7A  }
0x23: {  	s9 =	sor.u32 $0xD0000000, s2;
	s6 =	simm.s32 $0x108;
	_ =	swait.ge @!p0 [sflag:s8], $0x0  }
0x24: {  	s3 =	sadd.s32 $0x88, s3;
	s6 =	simm.s32 @!p1 $0x1082;
	[sflag:s4] =	ssyncset.s32 $0xFFFFF086  }
0x25: {  	[simem:s6], [sflag:s4] =	dma.local [hbm:s3], $0xF7A  }
0x26: {  	[smem:$0x3F9E] =	sst s1;
	(tag) =	ssettag s2;
	_ =	strace s9  }
0x27: {  	s1 =	sld [smem:$0x3FAE]  }
0x28: {  	s2 =	sld [smem:$0x3FAF]  }
0x29: {  	s4 =	sld [smem:$0x3FB1]  }
0x2a: {  	p0 =	seq.s32 s5, $0x0;
	s5 =	sld [smem:$0x3FB2]  }
0x2b: {  	s6 =	sld [smem:$0x3FB3]  }
0x2c: {  	s7 =	sld [smem:$0x3FB4]  }
0x2d: {  	s3 =	simm.s32 $0x108;
	s8 =	sld [smem:$0x3FB5]  }
0x2e: {  	s3 =	simm.s32 @!p0 $0x1082;
	s9 =	sld [smem:$0x3FB6]  }
0x2f: {  	lr =	sadd.s32 s0, s3;
	s0 =	sld [smem:$0x3FAD]  }
0x30: {  	s3 =	sld [smem:$0x3FB0]  }
0x31: {  	[smem:$0x3FB9] =	sst s10  }
0x32: {  	s10 =	sld [smem:$0x3FB7];
	_ =	sdelay $0x3  }
0x33: {  	p0 =	seq.s32 s10, $0x1;
	s10 =	sld [smem:$0x3FB9];
	_ =	sdelay $0x3  }
0x34: {  	[smem:$0x3FB9] =	sst s10  }
0x35: {  	s10 =	sld [smem:$0x3FB8];
	_ =	sdelay $0x3  }
0x36: {  	p1 =	seq.s32 s10, $0x1;
	s10 =	sld [smem:$0x3FB9];
	_ =	sdelay $0x3  }
0x37: {  	[smem:$0x3FB9] =	sst s10  }
0x38: {  	s10 =	sld [smem:$0x3FBA]  }
0x39: {  	_ = 	snop;
	(pc) =	sbr.ind lr, $3  }
0x3a: {  	_ = 	snop  }
0x3b: {  	_ = 	snop  }
0x3c: {  	p2 =	seq.s32 s10, $0x1;
	s10 =	sld [smem:$0x3FB9]  }
0x3d: {  	_ =	shalt  }
0x3e: {  	_ =	shalt  }
0x3f: {  	_ =	shalt  }
0x40: {  	_ =	shalt  }
0x41: {  	_ =	shalt  }
0x42: {  	_ =	shalt  }
0x43: {  	_ =	shalt  }
0x44: {  	_ =	shalt  }
0x45: {  	_ =	shalt  }
0x46: {  	_ =	shalt  }
0x47: {  	_ =	shalt  }
0x48: {  	_ =	shalt  }
0x49: {  	_ =	shalt  }
0x4a: {  	_ =	shalt  }
0x4b: {  	_ =	shalt  }
0x4c: {  	_ =	shalt  }
0x4d: {  	_ =	shalt  }
0x4e: {  	_ =	shalt  }
0x4f: {  	_ =	shalt  }
0x50: {  	_ =	shalt  }
0x51: {  	_ =	shalt  }
0x52: {  	_ =	shalt  }
0x53: {  	_ =	shalt  }
0x54: {  	_ =	shalt  }
0x55: {  	_ =	shalt  }
0x56: {  	_ =	shalt  }
0x57: {  	_ =	shalt  }
0x58: {  	_ =	shalt  }
0x59: {  	_ =	shalt  }
0x5a: {  	_ =	shalt  }
0x5b: {  	_ =	shalt  }
0x5c: {  	_ =	shalt  }
0x5d: {  	_ =	shalt  }
0x5e: {  	_ =	shalt  }
0x5f: {  	_ =	shalt  }
0x60: {  	_ =	shalt  }
0x61: {  	_ =	shalt  }
0x62: {  	_ =	shalt  }
0x63: {  	_ =	shalt  }
0x64: {  	_ =	shalt  }
0x65: {  	_ =	shalt  }
0x66: {  	_ =	shalt  }
0x67: {  	_ =	shalt  }
0x68: {  	_ =	shalt  }
0x69: {  	_ =	shalt  }
0x6a: {  	_ =	shalt  }
0x6b: {  	_ =	shalt  }
0x6c: {  	_ =	shalt  }
0x6d: {  	_ =	shalt  }
0x6e: {  	_ =	shalt  }
0x6f: {  	_ =	shalt  }
0x70: {  	_ =	shalt  }
0x71: {  	_ =	shalt  }
0x72: {  	_ =	shalt  }
0x73: {  	_ =	shalt  }
0x74: {  	_ =	shalt  }
0x75: {  	_ =	shalt  }
0x76: {  	_ =	shalt  }
0x77: {  	_ =	shalt  }
0x78: {  	_ =	shalt  }
0x79: {  	_ =	shalt  }
0x7a: {  	_ =	shalt  }
0x7b: {  	_ =	shalt  }
0x7c: {  	_ =	shalt  }
0x7d: {  	_ =	shalt  }
0x7e: {  	_ =	shalt  }
0x7f: {  	_ =	shalt  }
0x80: {  	_ =	shalt  }
0x81: {  	_ =	shalt  }
0x82: {  	_ =	shalt  }
0x83: {  	_ =	shalt  }
0x84: {  	_ =	shalt  }
0x85: {  	_ =	shalt  }
0x86: {  	_ =	shalt  }
0x87: {  	_ =	shalt  }
.Lfunc_end0:
.L_simem_size_0:
called_computation_lowered:
.L_overlay_start_0:
0x88: {  	s2 =	sld [smem:$0x3FD9]  }
0x89: {  	s3 =	sld [smem:$0x3FFE];
	_ =	sdelay $0x1  }
0x8a: {  	s1 =	srdreg.scid  }
0x8b: {  	s0 =	sand.u32 $0x1, s1  }
0x8c: {  	s17 =	sshll.u32 s0, $0xA;
	s2 =	sadd.s32 s3, s2  }
0x8d: {  	s2 =	sadd.s32 s2, s17  }
0x8e: {  	[smem:$0x3FC5] =	sst s2  }
0x8f: {  	_ = 	snop  }
0x90: {  	s2 =	sld [smem:$0x3FD0];
	(tm) =	ssettm $0x1  }
0x91: {  	s18 =	sld [smem:$0x3FFB];
	_ =	sdelay $0x3  }
0x92: {  	_ =	strace s18  }
0x93: {  	s3 =	sld [smem:$0x3FFC];
	_ =	sdelay $0x3  }
0x94: {  	_ =	strace s3  }
0x95: {  	s3 =	sld [smem:$0x3FFD];
	_ =	sdelay $0x3  }
0x96: {  	_ =	strace s3  }
0x97: {  	_ =	strace $0x8FFFFFFF  }
0x98: {  	s19 =	sld [smem:$0x3FDB];
	_ =	sdelay $0x1  }
0x99: {  	s4 =	simm.s32 $_scs_section_size  }
0x9a: {  	s5 =	simm.s32 $_size__tile_overlayer_lowered;
	s6 =	simm.s32 $_tile_overlayer_lowered  }
0x9b: {  	s22 =	simm.s32 $0x1BFF;
	s21 =	sshll.u32 s6, $0x1;
	s3 =	sadd.s32 s4, s19  }
0x9c: {  	s7 =	simm.s32 $0x0;
	s20 =	sshll.u32 s5, $0x1;
	s5 =	sadd.s32 s21, s3  }
0x9d: {  	[timem:s7], [sflag:s22] =	dma.local [hbm:s5], s20  }
0x9e: {  	_ =	swait.ge [sflag:s22], s20  }
0x9f: {  	s4 =	ssub.s32 $0x0, s20;
	[sflag:s22] =	ssyncset.done $0x0  }
0xa0: {  	[sflag:s22] =	ssyncadd.s32 s4;
	_ =	sdelay $0x1  }
0xa1: {  	s23 =	simm.s32 $0x1B8B  }
0xa2: {  	_ =	swait.ge [sflag:s23], $0x1  }
0xa3: {  	[sflag:s23] =	ssyncset.done $0x0  }
0xa4: {  	s25 =	simm.s32 $0x1B8E;
	s24 =	sld [smem:$0x3FFE];
	[sflag:s23] =	ssyncadd.s32 $0xFFFFFFFF  }
0xa5: {  	s26 =	simm.s32 $execute0_lowered;
	[smem:$0x3FD2] =	sst s25  }
0xa6: {  	s5 =	sshll.u32 s26, $0x1;
	_ =	strace $0x80000046;
	[dreg:$0x1] =	wrdreg $0xFFFFFFFF  }
0xa7: {  	s28 =	simm.s32 $_size_execute0_lowered;
	s3 =	sadd.s32 s3, s5;
	[dreg:$0x0] =	wrdreg $0x0  }
0xa8: {  	s5 =	sshll.u32 s28, $0x1;
	[dreg:$0x2] =	wrdreg s3  }
0xa9: {  	[dreg:$0x3] =	wrdreg s5  }
0xaa: {  	[dreg:$0x4] =	wrdreg $0xC0  }
0xab: {  	_ =	task [dreg:s7], $0x5FFFF  }
0xac: {  	[dreg:$0x1] =	wrdreg $0xFFFFFFFF  }
0xad: {  	[dreg:$0x0] =	wrdreg $0x60  }
0xae: {  	[dreg:$0x2] =	wrdreg s24  }
0xaf: {  	[dreg:$0x3] =	wrdreg s2  }
0xb0: {  	[dreg:$0x4] =	wrdreg $0x9  }
0xb1: {  	_ =	task.clear_ibuf [dreg:s7], $0x5FFFF;
	_ =	strace $0x90000046  }
0xb2: {  	s29 =	simm.s32 $0x9;
	_ =	strace $0x80000048  }
0xb3: {  	_ =	swait.ge [sflag:s29], $0x1  }
0xb4: {  	[sflag:s29] =	ssyncadd.s32 $0xFFFFFFFF  }
0xb5: {  	_ =	strace $0x90000048  }
0xb6: {  	_ =	sfence  }
0xb7: {  	s30 =	sld [smem:$0x0];
	_ =	sdelay $0x2  }
0xb8: {  	s31 =	sshll.u32 s1, $0xD;
	s1 =	sshrl.u32 s1, $0x2  }
0xb9: {  	s3 =	sand.u32 $0x4000, s31;
	s1 =	sadd.s32 s1, s30  }
0xba: {  	s0 =	sor.u32 s3, s0;
	s1 =	sshll.u32 s1, $0x11  }
0xbb: {  	s0 =	sor.u32 s1, s0  }
0xbc: {  	s0 =	sadd.s32 $0x8F2B, s0  }
0xbd: {  	[sflag:s0] =	ssyncadd.remote.s32 $0x1  }
0xbe: {  	_ =	sfence.sel $0xFFFF  }
0xbf: {  	[dreg:$0x0] =	wrdreg $0xFFFFFFFF;
	(pc) =	sbr.abs _section_cstart, $3  }
0xc0: {  	[dreg:$0x1] =	wrdreg $0xFFFFFFFF  }
0xc1: {  	_ =	task.clear_ibuf [dreg:s7], $0x2FFFF;
	_ =	strace $0x9FFFFFFF  }
0xc2: {  	(tm) =	ssettm $0x7FFFFFFF  }
0xc3: {  	_ =	shalt  }
tec
execute0_lowered:
.L_overlay_start_1:
0x0: {  	(tag) =	ssettag $0x1  }
0x1: {  	s4 =	rddreg [dreg:$0x0];
	s1 =	srdreg.scid  }
0x2: {  	s0 =	stileid.u32;
	s2 =	rddreg [dreg:$0x1];
	s3 =	simm.s32 $0x0  }
0x3: {  	s9 =	simm.s32 $0x100;
	s10 =	simm.s32 $0x3200;
	s11 =	simm.s32 $0xB200  }
0x4: {  	s12 =	simm.s32 $0x1;
	s13 =	simm.s32 $0x3;
	s14 =	simm.s32 $0x2  }
0x5: {  	s15 =	simm.s32 $0x4;
	s5 =	sand.u32 $0x1, s1;
	s6 =	sshll.u32 s0, $0x1  }
0x6: {  	s16 =	simm.s32 $0x0;
	s1 =	rddreg [dreg:$0x2];
	s6 =	sor.u32 s5, s6  }
0x7: {  	[smem:$0x7FF] =	sst s3;
	s5 =	ssub.s32 $0x2, s5;
	s7 =	smul.u32 $0x640, s6  }
0x8: {  	_ =	strace $0x80000047;
	s8 =	sshrl.u32 s5, $0x1;
	s6 =	smul.u32 $0xC8000, s6  }
0x9: {  	s8 =	ssub.s32 s5, s8;
	s7 =	sadd.s32 s7, s4;
	s4 =	sadd.s32 $0xF4F400, s4  }
0xa: {  	s5 =	sadd.s32 $0xF42C00, s7;
	s7 =	smax.u32 s8, $0x1;
	s8 =	simm.s32 $0x5  }
.LBB2_1:
0xb: {  	[tilespmem:s3], [sflag:$0x5] =	stream.linear.gather [hbm4b:s5+s3], $0x3200, $0x38;
	[tilespmem:$0x13200] =	vst v63  }
0xc: {  	_ =	swait.ge [sflag:s8], $0x3200  }
0xd: {  	[sflag:s8] =	ssyncset.done $0x0  }
0xe: {  	s17 =	simm.s32 $0x0;
	[sflag:s8] =	ssyncadd.s32 $0xFFFFCE00  }
0xf: {  	[tilespmem:s10], [sflag:$0x1] =	stream.indirect.gather [hbm4b:s4+s9], $0x80, s3, s9, $0xb8;
	[tilespmem:$0x13200] =	vst v63  }
.LBB2_2:
0x10: {  	p0 =	seq.s32 s17, $0x0  }
0x11: {  	s18 =	sshll.u32 s17, $0x1;
	s19 =	simm.s32 @!p0 $0x4  }
0x12: {  	s18 =	sor.u32 $0x1, s18;
	_ =	swait.ge @!p0 [sflag:s19], $0x4000  }
0x13: {  	s31 =	sshll.u32 s17, $0xF;
	s20 =	sshll.u32 s18, $0x8;
	[sflag:s19] =	ssyncset.done @!p0 $0x0  }
0x14: {  	s30 =	sand.u32 $0x3FFFFF00, s20;
	[sflag:s19] =	ssyncadd.s32 @!p0 $0xFFFFC000;
	s19 =	sadd.s32 s6, s31  }
0x15: {  	[tilespmem:s11], [sflag:$0x2] =	stream.indirect.gather [hbm4b:s4+s9], $0x80, s30, s9, $0xb8;
	[tilespmem:$0x13200] =	vst v63  }
0x16: {  	s21 =	simm.s32 $0x8;
	s19 =	sshrl.u32 s19, $0x3;
	_ =	swait.ge [sflag:s12], $0x8000  }
0x17: {  	s22 =	simm.s32 $0x3280;
	s19 =	sadd.s32 s2, s19;
	[sflag:s12] =	ssyncset.done $0x0  }
0x18: {  	s20 =	simm.s32 $0x3200;
	s23 =	sadd.s32 $0x0, s19;
	[sflag:s12] =	ssyncadd.s32 $0xFFFF8000  }
.LBB2_3:
0x19: {  	[hbm4b:s23+s3] =	stream.linear.scatter [tilespmem:s20], [sflag:$0x3], $0x40, $0x38;
	[tilespmem:$0x13200] =	vst v63  }
0x1a: {  	s23 =	smov.u32 s21;
	s20 =	smov.u32 s22;
	p0 =	sne.s32 s21, $0x7F8  }
.Ltmp0:
0x1b: {  	s21 =	sadd.s32 $0x8, s21;
	(pc) =	sbr.rel @p0 .LBB2_3-.Ltmp0, $2  }
0x1c: {  	_ =	sdelay $0x2  }
0x1d: {  	s22 =	sadd.s32 $0x80, s22;
	s23 =	sadd.s32 s23, s19  }
0x1e: {  	[hbm4b:s23+s3] =	stream.linear.scatter [tilespmem:s20], [sflag:$0x3], $0x40, $0x38;
	[tilespmem:$0x13200] =	vst v63  }
0x1f: {  	p0 =	seq.s32 s17, $0x18;
	s18 =	sshll.u32 s18, $0xE;
	_ =	swait.ge [sflag:s13], $0x4000  }
0x20: {  	s19 =	sshll.u32 @!p0 s17, $0x9;
	s20 =	simm.s32 @!p0 $0x100;
	s21 =	simm.s32 @!p0 $0x3200  }
0x21: {  	s18 =	sadd.s32 s6, s18;
	[sflag:s13] =	ssyncset.done $0x0;
	s19 =	sand.u32 @!p0 $0x3FFFFE00, s19  }
0x22: {  	s18 =	sshrl.u32 s18, $0x3;
	[sflag:s13] =	ssyncadd.s32 $0xFFFFC000;
	s19 =	sadd.s32 @!p0 $0x200, s19  }
0x23: {  	[tilespmem:s21], [sflag:$0x1] =	stream.indirect.gather @!p0 [hbm4b:s4+s20], $0x80, s19, s20, $0xb8;
	[tilespmem:$0x13200] =	vst v63  }
0x24: {  	s18 =	sadd.s32 s2, s18;
	_ =	swait.ge [sflag:s14], $0x8000  }
0x25: {  	s19 =	simm.s32 $0xB200;
	s20 =	simm.s32 $0x8;
	[sflag:s14] =	ssyncset.done $0x0  }
0x26: {  	s22 =	sadd.s32 $0x0, s18;
	s21 =	simm.s32 $0xB280;
	[sflag:s14] =	ssyncadd.s32 $0xFFFF8000  }
.LBB2_5:
0x27: {  	[hbm4b:s22+s3] =	stream.linear.scatter [tilespmem:s19], [sflag:$0x4], $0x40, $0x38;
	[tilespmem:$0x13200] =	vst v63  }
0x28: {  	s22 =	smov.u32 s20;
	s19 =	smov.u32 s21;
	p0 =	sne.s32 s20, $0x7F8  }
.Ltmp1:
0x29: {  	s20 =	sadd.s32 $0x8, s20;
	(pc) =	sbr.rel @p0 .LBB2_5-.Ltmp1, $2  }
0x2a: {  	_ =	sdelay $0x2  }
0x2b: {  	s21 =	sadd.s32 $0x80, s21;
	s22 =	sadd.s32 s22, s18  }
0x2c: {  	s17 =	sadd.s32 $0x1, s17  }
0x2d: {  	p0 =	sne.s32 s17, $0x19  }
.Ltmp2:
0x2e: {  	_ = 	snop;
	(pc) =	sbr.rel @p0 .LBB2_2-.Ltmp2, $2  }
0x2f: {  	_ =	sdelay $0x2  }
0x30: {  	[hbm4b:s22+s3] =	stream.linear.scatter [tilespmem:s19], [sflag:$0x4], $0x40, $0x38;
	[tilespmem:$0x13200] =	vst v63  }
0x31: {  	s16 =	sadd.s32 $0x1, s16  }
0x32: {  	p0 =	sne.s32 s16, s7  }
.Ltmp3:
0x33: {  	_ = 	snop;
	(pc) =	sbr.rel @p0 .LBB2_1-.Ltmp3, $4  }
0x34: {  	_ = 	snop  }
0x35: {  	_ =	swait.ge [sflag:s15], $0x4000  }
0x36: {  	[sflag:s15] =	ssyncset.done $0x0  }
0x37: {  	[sflag:s15] =	ssyncadd.s32 $0xFFFFC000  }
0x38: {  	_ =	sfence.sel $0x180000  }
0x39: {  	[bflag:$0x0] =	sbarrier.arrive $0xFFFF  }
0x3a: {  	p0 =	sne.s32 s0, $0x0;
	_ =	strace $0x90000047  }
0x3b: {  	s0 =	sadd.s32 @!p0 $0x100000, s1;
	[bflag:$0x2] =	sbarrier.arrive $0xFFFF  }
0x3c: {  	[sflag:s0] =	ssyncadd.tile.s32 @!p0 $0x1;
	_ =	shalt  }
.Lfunc_end2:
_tile_overlayer_lowered:
.L_overlay_start_2:
0x3d: {  	(tag) =	ssettag $0x2  }
0x3e: {  	s0 =	rddreg [dreg:$0x0];
	s2 =	stileid.u32  }
0x3f: {  	s1 =	rddreg [dreg:$0x1];
	p0 =	sne.s32 s2, $0x0  }
0x40: {  	s3 =	rddreg [dreg:$0x2];
	[bflag:$0x3] =	sbarrier.arrive $0xFFFF;
	s2 =	simm.s32 @!p0 $0x1C05  }
0x41: {  	[timem:s3], [sflag:s2] =	dma.local @!p0 [hbm:s0], s1  }
0x42: {  	s0 =	simm.s32 @!p0 $0x5  }
0x43: {  	_ =	swait.ge @!p0 [sflag:s0], s1  }
0x44: {  	s1 =	ssub.s32 @!p0 $0x0, s1;
	[sflag:s0] =	ssyncset.done @!p0 $0x0  }
0x45: {  	[sflag:s0] =	ssyncadd.s32 @!p0 s1  }
0x46: {  	[bflag:$0x3] =	sbarrier.arrive $0xFFFF  }
0x47: {  	_ =	shalt  }

</sc_bundles>
